<compile_context>
chip_gen: v7x
topology: tpu7x:2x2x1
jax: 0.10.2.dev20260603
libtpu: 0.0.44.dev20260713+nightly
codegen_flags: <defaults>
</compile_context>

<pallas_src>
import jax
import jax.numpy as jnp
from jax.experimental import pallas as pl
from jax.experimental.pallas import tpu as pltpu

DIM = 768
HEADS = 12
DH = 64
T = 5
B = 8
N = 577
NP = N - 1
TH = T * HEADS


def _mask_attn_kernel(xf_ref, xa_ref, wq_ref, wkv_ref, wqkva_ref, wo_ref,
                      bo_ref, outp_ref, outa_ref,
                      c2_scr, ov2_scr, u_scr, s_scr):
    scale = DH ** -0.5
    f32 = jnp.float32
    bf16 = jnp.bfloat16
    t = pl.program_id(1)

    bo = bo_ref[...]

    @pl.when(t == 0)
    def _prep():
        A = xa_ref[:, 0, :]
        aqkv = jnp.dot(A, wqkva_ref[...], preferred_element_type=f32)
        qa = aqkv[:, :DIM] * scale
        ka = aqkv[:, DIM:2 * DIM] * scale
        va = aqkv[:, 2 * DIM:]

        col = jax.lax.broadcasted_iota(jnp.int32, (HEADS, DIM), 1)
        row = jax.lax.broadcasted_iota(jnp.int32, (HEADS, DIM), 0)
        hm = jnp.where(col // DH == row, 1.0, 0.0).astype(f32)

        def expand(z):
            return (z[:, None, :] * hm[None, :, :]).reshape(TH, DIM)

        dn_t = (((1,), (1,)), ((), ()))
        c_patch = jax.lax.dot_general(expand(ka), wq_ref[...], dn_t,
                                      preferred_element_type=f32)
        c_agent = jax.lax.dot_general(expand(qa), wkv_ref[:, :DIM], dn_t,
                                      preferred_element_type=f32)
        ov = jnp.dot(expand(va), wo_ref[...], preferred_element_type=f32)

        c2_scr[...] = jnp.concatenate([c_patch, c_agent],
                                      axis=0).astype(bf16)
        ov2_scr[...] = jnp.concatenate([ov, jnp.zeros((TH, DIM), f32)],
                                       axis=0).astype(bf16)
        u_scr[...] = jnp.zeros((2 * TH, DIM), f32)
        s_scr[...] = jnp.zeros((2 * TH, 1), f32)

    ii = jax.lax.broadcasted_iota(jnp.int32, (2 * TH, 2 * TH), 0)
    jj = jax.lax.broadcasted_iota(jnp.int32, (2 * TH, 2 * TH), 1)
    same_head = (ii % HEADS == jj % HEADS) & (ii < TH) & (jj < TH)
    gsum_b = jnp.where(same_head | (ii == jj), 1.0, 0.0).astype(bf16)

    dn_t = (((1,), (1,)), ((), ()))
    dn_c0 = (((0,), (0,)), ((), ()))

    Vt = xf_ref[0, 1:, :].astype(bf16)
    logits = jax.lax.dot_general(Vt, c2_scr[...], dn_t,
                                 preferred_element_type=f32)
    e2f = jnp.exp(logits)
    e2 = e2f.astype(bf16)
    sb = jnp.dot(e2, gsum_b, preferred_element_type=f32)
    w2 = (e2f / sb).astype(bf16)
    outp_ref[0, 1:, :] = jnp.dot(w2, ov2_scr[...],
                                 preferred_element_type=f32) + bo
    ones_col = jnp.ones((NP, 1), dtype=bf16)
    u_scr[...] += jax.lax.dot_general(e2, Vt, dn_c0,
                                      preferred_element_type=f32)
    s_scr[...] += jax.lax.dot_general(e2, ones_col, dn_c0,
                                      preferred_element_type=f32)

    @pl.when(t == T - 1)
    def _agent_out():
        av_w = u_scr[TH:, :] / s_scr[TH:, :]
        av_full = jnp.dot(av_w, wkv_ref[:, DIM:],
                          preferred_element_type=f32)
        col = jax.lax.broadcasted_iota(jnp.int32, (HEADS, DIM), 1)
        row = jax.lax.broadcasted_iota(jnp.int32, (HEADS, DIM), 0)
        hm = jnp.where(col // DH == row, 1.0, 0.0).astype(f32)
        mask60 = jnp.broadcast_to(hm[None], (T, HEADS, DIM)).reshape(
            TH, DIM)
        a_pre = (av_full * mask60).reshape(T, HEADS, DIM).sum(axis=1)
        a_out = jnp.dot(a_pre, wo_ref[...], preferred_element_type=f32)
        outa_ref[0, :, :] = a_out + bo


def kernel(x, Wq_v, Wkv_v, Wqkv_a, Wo, bo):
    bo2 = bo.reshape(1, DIM)
    f32 = jnp.float32
    out_patch, out_agent = pl.pallas_call(
        _mask_attn_kernel,
        grid=(B, T),
        in_specs=[
            pl.BlockSpec((1, N, DIM), lambda b, t: (b * T + t, 0, 0)),
            pl.BlockSpec((T, 8, DIM), lambda b, t: (b, 0, 0)),
            pl.BlockSpec((DIM, DIM), lambda b, t: (0, 0)),
            pl.BlockSpec((DIM, 2 * DIM), lambda b, t: (0, 0)),
            pl.BlockSpec((DIM, 3 * DIM), lambda b, t: (0, 0)),
            pl.BlockSpec((DIM, DIM), lambda b, t: (0, 0)),
            pl.BlockSpec((1, DIM), lambda b, t: (0, 0)),
        ],
        out_specs=[
            pl.BlockSpec((1, N, DIM), lambda b, t: (b * T + t, 0, 0)),
            pl.BlockSpec((1, T, DIM), lambda b, t: (b, 0, 0)),
        ],
        out_shape=[
            jax.ShapeDtypeStruct((B * T, N, DIM), f32),
            jax.ShapeDtypeStruct((B, T, DIM), f32),
        ],
        scratch_shapes=[
            pltpu.VMEM((2 * TH, DIM), jnp.bfloat16),
            pltpu.VMEM((2 * TH, DIM), jnp.bfloat16),
            pltpu.VMEM((2 * TH, DIM), f32),
            pltpu.VMEM((2 * TH, 1), f32),
        ],
        compiler_params=pltpu.CompilerParams(
            dimension_semantics=("arbitrary", "arbitrary")),
    )(x, x, Wq_v, Wkv_v, Wqkv_a, Wo, bo2)
    return out_patch.at[:, 0, :].set(out_agent.reshape(B * T, DIM))

# --- scband reference (transcript-rebuilt; emitter-appended) ---
"""Pipeline reference for scband-mask-attention-66125316489673 (READ-ONLY COPY).

The authoritative reference and input builder live on the scoring server;
editing this copy changes nothing except your own understanding.
"""

import jax, jax.numpy as jnp
import numpy as np

DIM = 768
HEADS = 12
DH = 64
INNER = HEADS * DH
T = 5
B = 8
BT = B * T
N = 577


def setup_inputs(seed: int = 0) -> dict:
    key = jax.random.key(seed)
    ks = jax.random.split(key, 6)
    s = 0.02
    return {
        "x": jax.random.normal(ks[0], (BT, N, DIM), dtype=jnp.float32),
        "Wq_v": jax.random.normal(ks[1], (DIM, INNER), dtype=jnp.float32) * s,
        "Wkv_v": jax.random.normal(ks[2], (DIM, 2 * INNER), dtype=jnp.float32) * s,
        "Wqkv_a": jax.random.normal(ks[3], (DIM, 3 * INNER), dtype=jnp.float32) * s,
        "Wo": jax.random.normal(ks[4], (INNER, DIM), dtype=jnp.float32) * s,
        "bo": jnp.zeros((DIM,), dtype=jnp.float32),
    }


def _to_bhntd(z, b, t, h):
    # '(b t) n (h d) -> b h (n t) d'
    bt, n, hd = z.shape
    d = hd // h
    z = z.reshape(b, t, n, h, d)
    z = jnp.transpose(z, (0, 3, 2, 1, 4))  # b h n t d
    return z.reshape(b, h, n * t, d)


def _from_bhntd(z, b, t):
    # 'b h (n t) d -> (b t) n (h d)'
    _, h, nt, d = z.shape
    n = nt // t
    z = z.reshape(b, h, n, t, d)
    z = jnp.transpose(z, (0, 3, 2, 1, 4))  # b t n h d
    return z.reshape(b * t, n, h * d)


def reference(x, Wq_v, Wkv_v, Wqkv_a, Wo, bo):
    scale = DH ** (-0.5)
    A = x[:, :1]
    V = x[:, 1:]
    a_qkv = jnp.split(jnp.matmul(A, Wqkv_a), 3, axis=-1)
    v_kv = jnp.split(jnp.matmul(V, Wkv_v), 2, axis=-1)
    qv_flat = jnp.matmul(V, Wq_v)
    qv = _to_bhntd(qv_flat, B, T, HEADS)
    kv = _to_bhntd(v_kv[0], B, T, HEADS)
    vv = _to_bhntd(v_kv[1], B, T, HEADS)
    qa = _to_bhntd(a_qkv[0], B, T, HEADS)
    ka = _to_bhntd(a_qkv[1], B, T, HEADS)
    va = _to_bhntd(a_qkv[2], B, T, HEADS)
    av_dots = jnp.matmul(qa, jnp.swapaxes(kv, -1, -2)) * scale
    av_attn = jax.nn.softmax(av_dots, axis=-1)
    av_out = jnp.matmul(av_attn, vv)
    va_dots = jnp.matmul(qv, jnp.swapaxes(ka, -1, -2)) * scale
    va_attn = jax.nn.softmax(va_dots, axis=-1)
    va_out = jnp.matmul(va_attn, va)
    a_out = _from_bhntd(av_out, B, T)
    v_out = _from_bhntd(va_out, B, T)
    out = jnp.concatenate((a_out, v_out), axis=1)
    return jnp.matmul(out, Wo) + bo

if __name__ == "__main__":
    import jax
    _d = setup_inputs()
    print(jax.jit(kernel)(*tuple(_d.values())))

</pallas_src>

<mosaic_0001>
module attributes {stable_mosaic.version = 14 : i64} {
  func.func @_mask_attn_kernel(%arg0: i32, %arg1: i32, %arg2: memref<1x577x768xf32, #tpu.memory_space<vmem>>, %arg3: memref<5x8x768xf32, #tpu.memory_space<vmem>>, %arg4: memref<768x768xf32, #tpu.memory_space<vmem>>, %arg5: memref<768x1536xf32, #tpu.memory_space<vmem>>, %arg6: memref<768x2304xf32, #tpu.memory_space<vmem>>, %arg7: memref<768x768xf32, #tpu.memory_space<vmem>>, %arg8: memref<1x768xf32, #tpu.memory_space<vmem>>, %arg9: memref<1x577x768xf32, #tpu.memory_space<vmem>>, %arg10: memref<1x5x768xf32, #tpu.memory_space<vmem>>, %arg11: memref<120x768xbf16, #tpu.memory_space<vmem>>, %arg12: memref<120x768xbf16, #tpu.memory_space<vmem>>, %arg13: memref<120x768xf32, #tpu.memory_space<vmem>>, %arg14: memref<120x1xf32, #tpu.memory_space<vmem>>) attributes {dimension_semantics = [#tpu.dimension_semantics<arbitrary>, #tpu.dimension_semantics<arbitrary>], iteration_bounds = array<i64: 8, 5>, scalar_prefetch = 0 : i64, scratch_operands = 4 : i64, tpu.core_type = #tpu.core_type<tc>, window_params = [{transform_indices = @transform_0, window_bounds = array<i64: 1, 577, 768>}, {transform_indices = @transform_1, window_bounds = array<i64: 5, 8, 768>}, {pipeline_mode = #tpu.pipeline_mode<synchronous>, transform_indices = @transform_2, window_bounds = array<i64: 768, 768>}, {pipeline_mode = #tpu.pipeline_mode<synchronous>, transform_indices = @transform_3, window_bounds = array<i64: 768, 1536>}, {pipeline_mode = #tpu.pipeline_mode<synchronous>, transform_indices = @transform_4, window_bounds = array<i64: 768, 2304>}, {pipeline_mode = #tpu.pipeline_mode<synchronous>, transform_indices = @transform_5, window_bounds = array<i64: 768, 768>}, {pipeline_mode = #tpu.pipeline_mode<synchronous>, transform_indices = @transform_6, window_bounds = array<i64: 1, 768>}, {transform_indices = @transform_7, window_bounds = array<i64: 1, 577, 768>}, {transform_indices = @transform_8, window_bounds = array<i64: 1, 5, 768>}]} {
    %get3A = arith.constant 0 : index
    %get3A_0 = arith.constant 0 : index
    %get3A_1 = vector.load %arg8[%get3A, %get3A_0] : memref<1x768xf32, #tpu.memory_space<vmem>>, vector<1x768xf32>
    %eq3A = arith.constant 0 : i32
    %eq3A_2 = arith.cmpi eq, %arg1, %eq3A : i32
    %convert_element_type3A = arith.extui %eq3A_2 : i1 to i32
    %cond3A = arith.constant 0 : i32
    %cond3A_3 = arith.cmpi ne, %convert_element_type3A, %cond3A : i32
    scf.if %cond3A_3 {
      %get3A_108 = arith.constant 0 : index
      %get3A_109 = arith.constant 0 : index
      %get3A_110 = arith.constant 0 : index
      %get3A_111 = vector.load %arg3[%get3A_108, %get3A_109, %get3A_110] : memref<5x8x768xf32, #tpu.memory_space<vmem>>, vector<5x1x768xf32>
      %get3A_112 = vector.shape_cast %get3A_111 : vector<5x1x768xf32> to vector<5x768xf32>
      %get3A_113 = arith.constant 0 : index
      %get3A_114 = arith.constant 0 : index
      %get3A_115 = vector.load %arg6[%get3A_113, %get3A_114] : memref<768x2304xf32, #tpu.memory_space<vmem>>, vector<768x2304xf32>
      %dot_general3A_116 = arith.constant dense<0.000000e+00> : vector<5x2304xf32>
      %dot_general3A_117 = tpu.matmul %get3A_112, %get3A_115, %dot_general3A_116 {dimension_numbers = #tpu.dot_dimension_numbers<[1], [0], [0], [1], [0, 0, 1, 1], [], []>, transpose_lhs_hint = false} : vector<5x768xf32>, vector<768x2304xf32>, vector<5x2304xf32> -> vector<5x2304xf32>
      %slice3A = vector.extract_strided_slice %dot_general3A_117 {offsets = [0, 0], sizes = [5, 768], strides = [1, 1]} : vector<5x2304xf32> to vector<5x768xf32>
      %mul3A = arith.constant 1.250000e-01 : f32
      %mul3A_118 = vector.broadcast %mul3A : f32 to vector<5x768xf32>
      %mul3A_119 = arith.mulf %slice3A, %mul3A_118 : vector<5x768xf32>
      %slice3A_120 = vector.extract_strided_slice %dot_general3A_117 {offsets = [0, 768], sizes = [5, 768], strides = [1, 1]} : vector<5x2304xf32> to vector<5x768xf32>
      %mul3A_121 = arith.constant 1.250000e-01 : f32
      %mul3A_122 = vector.broadcast %mul3A_121 : f32 to vector<5x768xf32>
      %mul3A_123 = arith.mulf %slice3A_120, %mul3A_122 : vector<5x768xf32>
      %slice3A_124 = vector.extract_strided_slice %dot_general3A_117 {offsets = [0, 1536], sizes = [5, 768], strides = [1, 1]} : vector<5x2304xf32> to vector<5x768xf32>
      %iota3A_125 = tpu.iota {dimensions = array<i32: 1>} : vector<12x768xi32>
      %iota3A_126 = tpu.iota {dimensions = array<i32: 0>} : vector<12x768xi32>
      %jit3A_127 = arith.constant 64 : i32
      %div3A_128 = vector.broadcast %jit3A_127 : i32 to vector<12x768xi32>
      %div3A_129 = arith.divsi %iota3A_125, %div3A_128 : vector<12x768xi32>
      %sign3A = arith.constant 0 : i32
      %sign3A_130 = vector.broadcast %sign3A : i32 to vector<12x768xi32>
      %sign3A_131 = arith.cmpi sgt, %iota3A_125, %sign3A_130 : vector<12x768xi32>
      %sign3A_132 = arith.extui %sign3A_131 : vector<12x768xi1> to vector<12x768xi32>
      %sign3A_133 = arith.constant 0 : i32
      %sign3A_134 = vector.broadcast %sign3A_133 : i32 to vector<12x768xi32>
      %sign3A_135 = arith.cmpi slt, %iota3A_125, %sign3A_134 : vector<12x768xi32>
      %sign3A_136 = arith.extui %sign3A_135 : vector<12x768xi1> to vector<12x768xi32>
      %sign3A_137 = arith.subi %sign3A_132, %sign3A_136 : vector<12x768xi32>
      %sign3A_138 = arith.constant 0 : i32
      %sign3A_139 = arith.cmpi sgt, %jit3A_127, %sign3A_138 : i32
      %sign3A_140 = arith.extui %sign3A_139 : i1 to i32
      %sign3A_141 = arith.constant 0 : i32
      %sign3A_142 = arith.cmpi slt, %jit3A_127, %sign3A_141 : i32
      %sign3A_143 = arith.extui %sign3A_142 : i1 to i32
      %sign3A_144 = arith.subi %sign3A_140, %sign3A_143 : i32
      %ne3A_145 = vector.broadcast %sign3A_144 : i32 to vector<12x768xi32>
      %ne3A_146 = arith.cmpi ne, %sign3A_137, %ne3A_145 : vector<12x768xi32>
      %rem3A_147 = vector.broadcast %jit3A_127 : i32 to vector<12x768xi32>
      %rem3A_148 = arith.remsi %iota3A_125, %rem3A_147 : vector<12x768xi32>
      %ne3A_149 = arith.constant 0 : i32
      %ne3A_150 = vector.broadcast %ne3A_149 : i32 to vector<12x768xi32>
      %ne3A_151 = arith.cmpi ne, %rem3A_148, %ne3A_150 : vector<12x768xi32>
      %and3A_152 = arith.andi %ne3A_146, %ne3A_151 : vector<12x768xi1>
      %sub3A = arith.constant 1 : i32
      %sub3A_153 = vector.broadcast %sub3A : i32 to vector<12x768xi32>
      %sub3A_154 = arith.subi %div3A_129, %sub3A_153 : vector<12x768xi32>
      %select_n3A_155 = arith.select %and3A_152, %sub3A_154, %div3A_129 : vector<12x768xi1>, vector<12x768xi32>
      %eq3A_156 = arith.cmpi eq, %select_n3A_155, %iota3A_126 : vector<12x768xi32>
      %jit3A_157 = arith.constant 1.000000e+00 : f32
      %jit3A_158 = arith.constant 0.000000e+00 : f32
      %broadcast_in_dim3A_159 = vector.broadcast %jit3A_157 : f32 to vector<12x768xf32>
      %broadcast_in_dim3A_160 = vector.broadcast %jit3A_158 : f32 to vector<12x768xf32>
      %select_n3A_161 = arith.select %eq3A_156, %broadcast_in_dim3A_159, %broadcast_in_dim3A_160 : vector<12x768xi1>, vector<12x768xf32>
      %broadcast_in_dim3A_162 = vector.shape_cast %mul3A_123 : vector<5x768xf32> to vector<5x1x768xf32>
      %broadcast_in_dim3A_163 = vector.shape_cast %select_n3A_161 : vector<12x768xf32> to vector<1x12x768xf32>
      %mul3A_164 = vector.broadcast %broadcast_in_dim3A_162 : vector<5x1x768xf32> to vector<5x12x768xf32>
      %mul3A_165 = vector.broadcast %broadcast_in_dim3A_163 : vector<1x12x768xf32> to vector<5x12x768xf32>
      %mul3A_166 = arith.mulf %mul3A_164, %mul3A_165 : vector<5x12x768xf32>
      %reshape3A = vector.shape_cast %mul3A_166 : vector<5x12x768xf32> to vector<60x768xf32>
      %get3A_167 = arith.constant 0 : index
      %get3A_168 = arith.constant 0 : index
      %get3A_169 = vector.load %arg4[%get3A_167, %get3A_168] : memref<768x768xf32, #tpu.memory_space<vmem>>, vector<768x768xf32>
      %dot_general3A_170 = arith.constant dense<0.000000e+00> : vector<60x768xf32>
      %dot_general3A_171 = tpu.matmul %reshape3A, %get3A_169, %dot_general3A_170 {dimension_numbers = #tpu.dot_dimension_numbers<[1], [1], [0], [0], [0, 0, 1, 0], [], []>, transpose_lhs_hint = false} : vector<60x768xf32>, vector<768x768xf32>, vector<60x768xf32> -> vector<60x768xf32>
      %broadcast_in_dim3A_172 = vector.shape_cast %mul3A_119 : vector<5x768xf32> to vector<5x1x768xf32>
      %broadcast_in_dim3A_173 = vector.shape_cast %select_n3A_161 : vector<12x768xf32> to vector<1x12x768xf32>
      %mul3A_174 = vector.broadcast %broadcast_in_dim3A_172 : vector<5x1x768xf32> to vector<5x12x768xf32>
      %mul3A_175 = vector.broadcast %broadcast_in_dim3A_173 : vector<1x12x768xf32> to vector<5x12x768xf32>
      %mul3A_176 = arith.mulf %mul3A_174, %mul3A_175 : vector<5x12x768xf32>
      %reshape3A_177 = vector.shape_cast %mul3A_176 : vector<5x12x768xf32> to vector<60x768xf32>
      %get3A_178 = arith.constant 0 : index
      %get3A_179 = arith.constant 0 : index
      %get3A_180 = vector.load %arg5[%get3A_178, %get3A_179] : memref<768x1536xf32, #tpu.memory_space<vmem>>, vector<768x768xf32>
      %dot_general3A_181 = arith.constant dense<0.000000e+00> : vector<60x768xf32>
      %dot_general3A_182 = tpu.matmul %reshape3A_177, %get3A_180, %dot_general3A_181 {dimension_numbers = #tpu.dot_dimension_numbers<[1], [1], [0], [0], [0, 0, 1, 0], [], []>, transpose_lhs_hint = false} : vector<60x768xf32>, vector<768x768xf32>, vector<60x768xf32> -> vector<60x768xf32>
      %broadcast_in_dim3A_183 = vector.shape_cast %slice3A_124 : vector<5x768xf32> to vector<5x1x768xf32>
      %broadcast_in_dim3A_184 = vector.shape_cast %select_n3A_161 : vector<12x768xf32> to vector<1x12x768xf32>
      %mul3A_185 = vector.broadcast %broadcast_in_dim3A_183 : vector<5x1x768xf32> to vector<5x12x768xf32>
      %mul3A_186 = vector.broadcast %broadcast_in_dim3A_184 : vector<1x12x768xf32> to vector<5x12x768xf32>
      %mul3A_187 = arith.mulf %mul3A_185, %mul3A_186 : vector<5x12x768xf32>
      %reshape3A_188 = vector.shape_cast %mul3A_187 : vector<5x12x768xf32> to vector<60x768xf32>
      %get3A_189 = arith.constant 0 : index
      %get3A_190 = arith.constant 0 : index
      %get3A_191 = vector.load %arg7[%get3A_189, %get3A_190] : memref<768x768xf32, #tpu.memory_space<vmem>>, vector<768x768xf32>
      %dot_general3A_192 = arith.constant dense<0.000000e+00> : vector<60x768xf32>
      %dot_general3A_193 = tpu.matmul %reshape3A_188, %get3A_191, %dot_general3A_192 {dimension_numbers = #tpu.dot_dimension_numbers<[1], [0], [0], [1], [0, 0, 1, 1], [], []>, transpose_lhs_hint = false} : vector<60x768xf32>, vector<768x768xf32>, vector<60x768xf32> -> vector<60x768xf32>
      %concatenate3A = tpu.concatenate %dot_general3A_171, %dot_general3A_182 in 0 : vector<60x768xf32>, vector<60x768xf32> -> vector<120x768xf32>
      %convert_element_type3A_194 = arith.truncf %concatenate3A : vector<120x768xf32> to vector<120x768xbf16>
      %swap3A_195 = arith.constant 0 : index
      %swap3A_196 = arith.constant 0 : index
      %swap3A_197 = vector.load %arg11[%swap3A_195, %swap3A_196] : memref<120x768xbf16, #tpu.memory_space<vmem>>, vector<120x768xbf16>
      tpu.vector_store %arg11[%swap3A_195, %swap3A_196], %convert_element_type3A_194 {strides = array<i32>} : memref<120x768xbf16, #tpu.memory_space<vmem>>, vector<120x768xbf16>,
      %broadcast_in_dim3A_198 = arith.constant 0.000000e+00 : f32
      %broadcast_in_dim3A_199 = vector.broadcast %broadcast_in_dim3A_198 : f32 to vector<60x768xf32>
      %concatenate3A_200 = tpu.concatenate %dot_general3A_193, %broadcast_in_dim3A_199 in 0 : vector<60x768xf32>, vector<60x768xf32> -> vector<120x768xf32>
      %convert_element_type3A_201 = arith.truncf %concatenate3A_200 : vector<120x768xf32> to vector<120x768xbf16>
      %swap3A_202 = arith.constant 0 : index
      %swap3A_203 = arith.constant 0 : index
      %swap3A_204 = vector.load %arg12[%swap3A_202, %swap3A_203] : memref<120x768xbf16, #tpu.memory_space<vmem>>, vector<120x768xbf16>
      tpu.vector_store %arg12[%swap3A_202, %swap3A_203], %convert_element_type3A_201 {strides = array<i32>} : memref<120x768xbf16, #tpu.memory_space<vmem>>, vector<120x768xbf16>,
      %broadcast_in_dim3A_205 = arith.constant 0.000000e+00 : f32
      %broadcast_in_dim3A_206 = vector.broadcast %broadcast_in_dim3A_205 : f32 to vector<120x768xf32>
      %swap3A_207 = arith.constant 0 : index
      %swap3A_208 = arith.constant 0 : index
      %swap3A_209 = vector.load %arg13[%swap3A_207, %swap3A_208] : memref<120x768xf32, #tpu.memory_space<vmem>>, vector<120x768xf32>
      tpu.vector_store %arg13[%swap3A_207, %swap3A_208], %broadcast_in_dim3A_206 {strides = array<i32>} : memref<120x768xf32, #tpu.memory_space<vmem>>, vector<120x768xf32>,
      %broadcast_in_dim3A_210 = arith.constant 0.000000e+00 : f32
      %broadcast_in_dim3A_211 = vector.broadcast %broadcast_in_dim3A_210 : f32 to vector<120x1xf32>
      %swap3A_212 = arith.constant 0 : index
      %swap3A_213 = arith.constant 0 : index
      %swap3A_214 = vector.load %arg14[%swap3A_212, %swap3A_213] : memref<120x1xf32, #tpu.memory_space<vmem>>, vector<120x1xf32>
      tpu.vector_store %arg14[%swap3A_212, %swap3A_213], %broadcast_in_dim3A_211 {strides = array<i32>} : memref<120x1xf32, #tpu.memory_space<vmem>>, vector<120x1xf32>,
    } else {
    }
    %iota3A = tpu.iota {dimensions = array<i32: 0>} : vector<120x120xi32>
    %iota3A_4 = tpu.iota {dimensions = array<i32: 1>} : vector<120x120xi32>
    %jit3A = arith.constant 12 : i32
    %eq3A_5 = arith.constant 0 : i32
    %eq3A_6 = arith.cmpi eq, %jit3A, %eq3A_5 : i32
    %jit3A_7 = arith.constant 1 : i32
    %select_n3A = arith.select %eq3A_6, %jit3A_7, %jit3A : i32
    %rem3A = vector.broadcast %select_n3A : i32 to vector<120x120xi32>
    %rem3A_8 = arith.remsi %iota3A, %rem3A : vector<120x120xi32>
    %ne3A = arith.constant 0 : i32
    %ne3A_9 = vector.broadcast %ne3A : i32 to vector<120x120xi32>
    %ne3A_10 = arith.cmpi ne, %rem3A_8, %ne3A_9 : vector<120x120xi32>
    %lt3A = arith.constant 0 : i32
    %lt3A_11 = vector.broadcast %lt3A : i32 to vector<120x120xi32>
    %lt3A_12 = arith.cmpi slt, %rem3A_8, %lt3A_11 : vector<120x120xi32>
    %lt3A_13 = arith.constant 0 : i32
    %lt3A_14 = arith.cmpi slt, %select_n3A, %lt3A_13 : i32
    %ne3A_15 = vector.broadcast %lt3A_14 : i1 to vector<120x120xi1>
    %ne3A_16 = vector.broadcast %ne3A_15 : vector<120x120xi1> to vector<120x120xi1>
    %ne3A_17 = arith.xori %lt3A_12, %ne3A_16 : vector<120x120xi1>
    %and3A = arith.andi %ne3A_17, %ne3A_10 : vector<120x120xi1>
    %add3A = vector.broadcast %select_n3A : i32 to vector<120x120xi32>
    %add3A_18 = arith.addi %rem3A_8, %add3A : vector<120x120xi32>
    %select_n3A_19 = arith.select %and3A, %add3A_18, %rem3A_8 : vector<120x120xi1>, vector<120x120xi32>
    %jit3A_20 = arith.constant 12 : i32
    %eq3A_21 = arith.constant 0 : i32
    %eq3A_22 = arith.cmpi eq, %jit3A_20, %eq3A_21 : i32
    %jit3A_23 = arith.constant 1 : i32
    %select_n3A_24 = arith.select %eq3A_22, %jit3A_23, %jit3A_20 : i32
    %rem3A_25 = vector.broadcast %select_n3A_24 : i32 to vector<120x120xi32>
    %rem3A_26 = arith.remsi %iota3A_4, %rem3A_25 : vector<120x120xi32>
    %ne3A_27 = arith.constant 0 : i32
    %ne3A_28 = vector.broadcast %ne3A_27 : i32 to vector<120x120xi32>
    %ne3A_29 = arith.cmpi ne, %rem3A_26, %ne3A_28 : vector<120x120xi32>
    %lt3A_30 = arith.constant 0 : i32
    %lt3A_31 = vector.broadcast %lt3A_30 : i32 to vector<120x120xi32>
    %lt3A_32 = arith.cmpi slt, %rem3A_26, %lt3A_31 : vector<120x120xi32>
    %lt3A_33 = arith.constant 0 : i32
    %lt3A_34 = arith.cmpi slt, %select_n3A_24, %lt3A_33 : i32
    %ne3A_35 = vector.broadcast %lt3A_34 : i1 to vector<120x120xi1>
    %ne3A_36 = vector.broadcast %ne3A_35 : vector<120x120xi1> to vector<120x120xi1>
    %ne3A_37 = arith.xori %lt3A_32, %ne3A_36 : vector<120x120xi1>
    %and3A_38 = arith.andi %ne3A_37, %ne3A_29 : vector<120x120xi1>
    %add3A_39 = vector.broadcast %select_n3A_24 : i32 to vector<120x120xi32>
    %add3A_40 = arith.addi %rem3A_26, %add3A_39 : vector<120x120xi32>
    %select_n3A_41 = arith.select %and3A_38, %add3A_40, %rem3A_26 : vector<120x120xi1>, vector<120x120xi32>
    %eq3A_42 = arith.cmpi eq, %select_n3A_19, %select_n3A_41 : vector<120x120xi32>
    %lt3A_43 = arith.constant 60 : i32
    %lt3A_44 = vector.broadcast %lt3A_43 : i32 to vector<120x120xi32>
    %lt3A_45 = arith.cmpi slt, %iota3A, %lt3A_44 : vector<120x120xi32>
    %and3A_46 = arith.andi %eq3A_42, %lt3A_45 : vector<120x120xi1>
    %lt3A_47 = arith.constant 60 : i32
    %lt3A_48 = vector.broadcast %lt3A_47 : i32 to vector<120x120xi32>
    %lt3A_49 = arith.cmpi slt, %iota3A_4, %lt3A_48 : vector<120x120xi32>
    %and3A_50 = arith.andi %and3A_46, %lt3A_49 : vector<120x120xi1>
    %eq3A_51 = arith.cmpi eq, %iota3A, %iota3A_4 : vector<120x120xi32>
    %or3A = arith.ori %and3A_50, %eq3A_51 : vector<120x120xi1>
    %jit3A_52 = arith.constant 1.000000e+00 : f32
    %jit3A_53 = arith.constant 0.000000e+00 : f32
    %broadcast_in_dim3A = vector.broadcast %jit3A_52 : f32 to vector<120x120xf32>
    %broadcast_in_dim3A_54 = vector.broadcast %jit3A_53 : f32 to vector<120x120xf32>
    %select_n3A_55 = arith.select %or3A, %broadcast_in_dim3A, %broadcast_in_dim3A_54 : vector<120x120xi1>, vector<120x120xf32>
    %convert_element_type3A_56 = arith.truncf %select_n3A_55 : vector<120x120xf32> to vector<120x120xbf16>
    %get3A_57 = arith.constant 0 : index
    %get3A_58 = arith.constant 1 : index
    %get3A_59 = arith.constant 0 : index
    %get3A_60 = vector.load %arg2[%get3A_57, %get3A_58, %get3A_59] : memref<1x577x768xf32, #tpu.memory_space<vmem>>, vector<1x576x768xf32>
    %get3A_61 = vector.shape_cast %get3A_60 : vector<1x576x768xf32> to vector<576x768xf32>
    %convert_element_type3A_62 = arith.truncf %get3A_61 : vector<576x768xf32> to vector<576x768xbf16>
    %get3A_63 = arith.constant 0 : index
    %get3A_64 = arith.constant 0 : index
    %get3A_65 = vector.load %arg11[%get3A_63, %get3A_64] : memref<120x768xbf16, #tpu.memory_space<vmem>>, vector<120x768xbf16>
    %dot_general3A = arith.constant dense<0.000000e+00> : vector<576x120xf32>
    %dot_general3A_66 = tpu.matmul %convert_element_type3A_62, %get3A_65, %dot_general3A {dimension_numbers = #tpu.dot_dimension_numbers<[1], [1], [0], [0], [0, 0, 1, 0], [], []>, transpose_lhs_hint = false} : vector<576x768xbf16>, vector<120x768xbf16>, vector<576x120xf32> -> vector<576x120xf32>
    %exp3A = math.exp %dot_general3A_66 : vector<576x120xf32>
    %convert_element_type3A_67 = arith.truncf %exp3A : vector<576x120xf32> to vector<576x120xbf16>
    %dot_general3A_68 = arith.constant dense<0.000000e+00> : vector<576x120xf32>
    %dot_general3A_69 = tpu.matmul %convert_element_type3A_67, %convert_element_type3A_56, %dot_general3A_68 {dimension_numbers = #tpu.dot_dimension_numbers<[1], [0], [0], [1], [0, 0, 1, 1], [], []>, transpose_lhs_hint = false} : vector<576x120xbf16>, vector<120x120xbf16>, vector<576x120xf32> -> vector<576x120xf32>
    %div3A = arith.divf %exp3A, %dot_general3A_69 : vector<576x120xf32>
    %convert_element_type3A_70 = arith.truncf %div3A : vector<576x120xf32> to vector<576x120xbf16>
    %get3A_71 = arith.constant 0 : index
    %get3A_72 = arith.constant 0 : index
    %get3A_73 = vector.load %arg12[%get3A_71, %get3A_72] : memref<120x768xbf16, #tpu.memory_space<vmem>>, vector<120x768xbf16>
    %dot_general3A_74 = arith.constant dense<0.000000e+00> : vector<576x768xf32>
    %dot_general3A_75 = tpu.matmul %convert_element_type3A_70, %get3A_73, %dot_general3A_74 {dimension_numbers = #tpu.dot_dimension_numbers<[1], [0], [0], [1], [0, 0, 1, 1], [], []>, transpose_lhs_hint = false} : vector<576x120xbf16>, vector<120x768xbf16>, vector<576x768xf32> -> vector<576x768xf32>
    %add3A_76 = vector.broadcast %get3A_1 : vector<1x768xf32> to vector<576x768xf32>
    %add3A_77 = arith.addf %dot_general3A_75, %add3A_76 : vector<576x768xf32>
    %swap3A = arith.constant 0 : index
    %swap3A_78 = arith.constant 1 : index
    %swap3A_79 = arith.constant 0 : index
    %swap3A_80 = vector.load %arg9[%swap3A, %swap3A_78, %swap3A_79] : memref<1x577x768xf32, #tpu.memory_space<vmem>>, vector<1x576x768xf32>
    %swap3A_81 = vector.shape_cast %swap3A_80 : vector<1x576x768xf32> to vector<576x768xf32>
    %swap3A_82 = vector.shape_cast %add3A_77 : vector<576x768xf32> to vector<1x576x768xf32>
    tpu.vector_store %arg9[%swap3A, %swap3A_78, %swap3A_79], %swap3A_82 {strides = array<i32>} : memref<1x577x768xf32, #tpu.memory_space<vmem>>, vector<1x576x768xf32>,
    %broadcast_in_dim3A_83 = arith.constant 1.000000e+00 : bf16
    %broadcast_in_dim3A_84 = vector.broadcast %broadcast_in_dim3A_83 : bf16 to vector<576x1xbf16>
    %get3A_85 = arith.constant 0 : index
    %get3A_86 = arith.constant 0 : index
    %get3A_87 = vector.load %arg13[%get3A_85, %get3A_86] : memref<120x768xf32, #tpu.memory_space<vmem>>, vector<120x768xf32>
    %dot_general3A_88 = arith.constant dense<0.000000e+00> : vector<120x768xf32>
    %dot_general3A_89 = tpu.matmul %convert_element_type3A_67, %convert_element_type3A_62, %dot_general3A_88 {dimension_numbers = #tpu.dot_dimension_numbers<[0], [0], [1], [1], [0, 1, 1, 1], [], []>, transpose_lhs_hint = false} : vector<576x120xbf16>, vector<576x768xbf16>, vector<120x768xf32> -> vector<120x768xf32>
    %add3A_90 = arith.addf %get3A_87, %dot_general3A_89 : vector<120x768xf32>
    %swap3A_91 = arith.constant 0 : index
    %swap3A_92 = arith.constant 0 : index
    %swap3A_93 = vector.load %arg13[%swap3A_91, %swap3A_92] : memref<120x768xf32, #tpu.memory_space<vmem>>, vector<120x768xf32>
    tpu.vector_store %arg13[%swap3A_91, %swap3A_92], %add3A_90 {strides = array<i32>} : memref<120x768xf32, #tpu.memory_space<vmem>>, vector<120x768xf32>,
    %get3A_94 = arith.constant 0 : index
    %get3A_95 = arith.constant 0 : index
    %get3A_96 = vector.load %arg14[%get3A_94, %get3A_95] : memref<120x1xf32, #tpu.memory_space<vmem>>, vector<120x1xf32>
    %dot_general3A_97 = arith.constant dense<0.000000e+00> : vector<120x1xf32>
    %dot_general3A_98 = tpu.matmul %convert_element_type3A_67, %broadcast_in_dim3A_84, %dot_general3A_97 {dimension_numbers = #tpu.dot_dimension_numbers<[0], [0], [1], [1], [0, 1, 1, 1], [], []>, transpose_lhs_hint = false} : vector<576x120xbf16>, vector<576x1xbf16>, vector<120x1xf32> -> vector<120x1xf32>
    %add3A_99 = arith.addf %get3A_96, %dot_general3A_98 : vector<120x1xf32>
    %swap3A_100 = arith.constant 0 : index
    %swap3A_101 = arith.constant 0 : index
    %swap3A_102 = vector.load %arg14[%swap3A_100, %swap3A_101] : memref<120x1xf32, #tpu.memory_space<vmem>>, vector<120x1xf32>
    tpu.vector_store %arg14[%swap3A_100, %swap3A_101], %add3A_99 {strides = array<i32>} : memref<120x1xf32, #tpu.memory_space<vmem>>, vector<120x1xf32>,
    %eq3A_103 = arith.constant 4 : i32
    %eq3A_104 = arith.cmpi eq, %arg1, %eq3A_103 : i32
    %convert_element_type3A_105 = arith.extui %eq3A_104 : i1 to i32
    %cond3A_106 = arith.constant 0 : i32
    %cond3A_107 = arith.cmpi ne, %convert_element_type3A_105, %cond3A_106 : i32
    scf.if %cond3A_107 {
      %get3A_108 = arith.constant 60 : index
      %get3A_109 = arith.constant 0 : index
      %get3A_110 = vector.load %arg13[%get3A_108, %get3A_109] : memref<120x768xf32, #tpu.memory_space<vmem>>, vector<60x768xf32>
      %get3A_111 = arith.constant 60 : index
      %get3A_112 = arith.constant 0 : index
      %get3A_113 = vector.load %arg14[%get3A_111, %get3A_112] : memref<120x1xf32, #tpu.memory_space<vmem>>, vector<60x1xf32>
      %div3A_114 = vector.broadcast %get3A_113 : vector<60x1xf32> to vector<60x768xf32>
      %div3A_115 = arith.divf %get3A_110, %div3A_114 : vector<60x768xf32>
      %get3A_116 = arith.constant 0 : index
      %get3A_117 = arith.constant 768 : index
      %get3A_118 = vector.load %arg5[%get3A_116, %get3A_117] : memref<768x1536xf32, #tpu.memory_space<vmem>>, vector<768x768xf32>
      %dot_general3A_119 = arith.constant dense<0.000000e+00> : vector<60x768xf32>
      %dot_general3A_120 = tpu.matmul %div3A_115, %get3A_118, %dot_general3A_119 {dimension_numbers = #tpu.dot_dimension_numbers<[1], [0], [0], [1], [0, 0, 1, 1], [], []>, transpose_lhs_hint = false} : vector<60x768xf32>, vector<768x768xf32>, vector<60x768xf32> -> vector<60x768xf32>
      %iota3A_121 = tpu.iota {dimensions = array<i32: 1>} : vector<12x768xi32>
      %iota3A_122 = tpu.iota {dimensions = array<i32: 0>} : vector<12x768xi32>
      %jit3A_123 = arith.constant 64 : i32
      %div3A_124 = vector.broadcast %jit3A_123 : i32 to vector<12x768xi32>
      %div3A_125 = arith.divsi %iota3A_121, %div3A_124 : vector<12x768xi32>
      %sign3A = arith.constant 0 : i32
      %sign3A_126 = vector.broadcast %sign3A : i32 to vector<12x768xi32>
      %sign3A_127 = arith.cmpi sgt, %iota3A_121, %sign3A_126 : vector<12x768xi32>
      %sign3A_128 = arith.extui %sign3A_127 : vector<12x768xi1> to vector<12x768xi32>
      %sign3A_129 = arith.constant 0 : i32
      %sign3A_130 = vector.broadcast %sign3A_129 : i32 to vector<12x768xi32>
      %sign3A_131 = arith.cmpi slt, %iota3A_121, %sign3A_130 : vector<12x768xi32>
      %sign3A_132 = arith.extui %sign3A_131 : vector<12x768xi1> to vector<12x768xi32>
      %sign3A_133 = arith.subi %sign3A_128, %sign3A_132 : vector<12x768xi32>
      %sign3A_134 = arith.constant 0 : i32
      %sign3A_135 = arith.cmpi sgt, %jit3A_123, %sign3A_134 : i32
      %sign3A_136 = arith.extui %sign3A_135 : i1 to i32
      %sign3A_137 = arith.constant 0 : i32
      %sign3A_138 = arith.cmpi slt, %jit3A_123, %sign3A_137 : i32
      %sign3A_139 = arith.extui %sign3A_138 : i1 to i32
      %sign3A_140 = arith.subi %sign3A_136, %sign3A_139 : i32
      %ne3A_141 = vector.broadcast %sign3A_140 : i32 to vector<12x768xi32>
      %ne3A_142 = arith.cmpi ne, %sign3A_133, %ne3A_141 : vector<12x768xi32>
      %rem3A_143 = vector.broadcast %jit3A_123 : i32 to vector<12x768xi32>
      %rem3A_144 = arith.remsi %iota3A_121, %rem3A_143 : vector<12x768xi32>
      %ne3A_145 = arith.constant 0 : i32
      %ne3A_146 = vector.broadcast %ne3A_145 : i32 to vector<12x768xi32>
      %ne3A_147 = arith.cmpi ne, %rem3A_144, %ne3A_146 : vector<12x768xi32>
      %and3A_148 = arith.andi %ne3A_142, %ne3A_147 : vector<12x768xi1>
      %sub3A = arith.constant 1 : i32
      %sub3A_149 = vector.broadcast %sub3A : i32 to vector<12x768xi32>
      %sub3A_150 = arith.subi %div3A_125, %sub3A_149 : vector<12x768xi32>
      %select_n3A_151 = arith.select %and3A_148, %sub3A_150, %div3A_125 : vector<12x768xi1>, vector<12x768xi32>
      %eq3A_152 = arith.cmpi eq, %select_n3A_151, %iota3A_122 : vector<12x768xi32>
      %jit3A_153 = arith.constant 1.000000e+00 : f32
      %jit3A_154 = arith.constant 0.000000e+00 : f32
      %broadcast_in_dim3A_155 = vector.broadcast %jit3A_153 : f32 to vector<12x768xf32>
      %broadcast_in_dim3A_156 = vector.broadcast %jit3A_154 : f32 to vector<12x768xf32>
      %select_n3A_157 = arith.select %eq3A_152, %broadcast_in_dim3A_155, %broadcast_in_dim3A_156 : vector<12x768xi1>, vector<12x768xf32>
      %broadcast_in_dim3A_158 = vector.shape_cast %select_n3A_157 : vector<12x768xf32> to vector<1x12x768xf32>
      %broadcast_in_dim3A_159 = vector.shape_cast %broadcast_in_dim3A_158 : vector<1x12x768xf32> to vector<1x12x768xf32>
      %broadcast_in_dim3A_160 = vector.broadcast %broadcast_in_dim3A_159 : vector<1x12x768xf32> to vector<5x12x768xf32>
      %reshape3A = vector.shape_cast %broadcast_in_dim3A_160 : vector<5x12x768xf32> to vector<60x768xf32>
      %mul3A = arith.mulf %dot_general3A_120, %reshape3A : vector<60x768xf32>
      %reshape3A_161 = vector.shape_cast %mul3A : vector<60x768xf32> to vector<5x12x768xf32>
      %reduce_sum3A = arith.constant dense<0.000000e+00> : vector<5x768xf32>
      %reduce_sum3A_162 = vector.multi_reduction <add>, %reshape3A_161, %reduce_sum3A [1] : vector<5x12x768xf32> to vector<5x768xf32>
      %get3A_163 = arith.constant 0 : index
      %get3A_164 = arith.constant 0 : index
      %get3A_165 = vector.load %arg7[%get3A_163, %get3A_164] : memref<768x768xf32, #tpu.memory_space<vmem>>, vector<768x768xf32>
      %dot_general3A_166 = arith.constant dense<0.000000e+00> : vector<5x768xf32>
      %dot_general3A_167 = tpu.matmul %reduce_sum3A_162, %get3A_165, %dot_general3A_166 {dimension_numbers = #tpu.dot_dimension_numbers<[1], [0], [0], [1], [0, 0, 1, 1], [], []>, transpose_lhs_hint = false} : vector<5x768xf32>, vector<768x768xf32>, vector<5x768xf32> -> vector<5x768xf32>
      %add3A_168 = vector.broadcast %get3A_1 : vector<1x768xf32> to vector<5x768xf32>
      %add3A_169 = arith.addf %dot_general3A_167, %add3A_168 : vector<5x768xf32>
      %swap3A_170 = arith.constant 0 : index
      %swap3A_171 = arith.constant 0 : index
      %swap3A_172 = arith.constant 0 : index
      %swap3A_173 = vector.load %arg10[%swap3A_170, %swap3A_171, %swap3A_172] : memref<1x5x768xf32, #tpu.memory_space<vmem>>, vector<1x5x768xf32>
      %swap3A_174 = vector.shape_cast %swap3A_173 : vector<1x5x768xf32> to vector<5x768xf32>
      %swap3A_175 = vector.shape_cast %add3A_169 : vector<5x768xf32> to vector<1x5x768xf32>
      tpu.vector_store %arg10[%swap3A_170, %swap3A_171, %swap3A_172], %swap3A_175 {strides = array<i32>} : memref<1x5x768xf32, #tpu.memory_space<vmem>>, vector<1x5x768xf32>,
    } else {
    }
    return
  }
  func.func @transform_0(%arg0: i32, %arg1: i32) -> (i32, i32, i32) {
    %mul3A = arith.constant 5 : i32
    %mul3A_0 = arith.muli %arg0, %mul3A : i32
    %add3A = arith.addi %mul3A_0, %arg1 : i32
    %c0_i32 = arith.constant 0 : i32
    %c0_i32_1 = arith.constant 0 : i32
    %c0_i32_2 = arith.constant 0 : i32
    return %add3A, %c0_i32, %c0_i32_1 : i32, i32, i32
  }
  func.func @transform_1(%arg0: i32, %arg1: i32) -> (i32, i32, i32) {
    %c0_i32 = arith.constant 0 : i32
    %c0_i32_0 = arith.constant 0 : i32
    %c0_i32_1 = arith.constant 0 : i32
    return %arg0, %c0_i32, %c0_i32_0 : i32, i32, i32
  }
  func.func @transform_2(%arg0: i32, %arg1: i32) -> (i32, i32) {
    %c0_i32 = arith.constant 0 : i32
    %c0_i32_0 = arith.constant 0 : i32
    %c0_i32_1 = arith.constant 0 : i32
    return %c0_i32, %c0_i32_0 : i32, i32
  }
  func.func @transform_3(%arg0: i32, %arg1: i32) -> (i32, i32) {
    %c0_i32 = arith.constant 0 : i32
    %c0_i32_0 = arith.constant 0 : i32
    %c0_i32_1 = arith.constant 0 : i32
    return %c0_i32, %c0_i32_0 : i32, i32
  }
  func.func @transform_4(%arg0: i32, %arg1: i32) -> (i32, i32) {
    %c0_i32 = arith.constant 0 : i32
    %c0_i32_0 = arith.constant 0 : i32
    %c0_i32_1 = arith.constant 0 : i32
    return %c0_i32, %c0_i32_0 : i32, i32
  }
  func.func @transform_5(%arg0: i32, %arg1: i32) -> (i32, i32) {
    %c0_i32 = arith.constant 0 : i32
    %c0_i32_0 = arith.constant 0 : i32
    %c0_i32_1 = arith.constant 0 : i32
    return %c0_i32, %c0_i32_0 : i32, i32
  }
  func.func @transform_6(%arg0: i32, %arg1: i32) -> (i32, i32) {
    %c0_i32 = arith.constant 0 : i32
    %c0_i32_0 = arith.constant 0 : i32
    %c0_i32_1 = arith.constant 0 : i32
    return %c0_i32, %c0_i32_0 : i32, i32
  }
  func.func @transform_7(%arg0: i32, %arg1: i32) -> (i32, i32, i32) {
    %mul3A = arith.constant 5 : i32
    %mul3A_0 = arith.muli %arg0, %mul3A : i32
    %add3A = arith.addi %mul3A_0, %arg1 : i32
    %c0_i32 = arith.constant 0 : i32
    %c0_i32_1 = arith.constant 0 : i32
    %c0_i32_2 = arith.constant 0 : i32
    return %add3A, %c0_i32, %c0_i32_1 : i32, i32, i32
  }
  func.func @transform_8(%arg0: i32, %arg1: i32) -> (i32, i32, i32) {
    %c0_i32 = arith.constant 0 : i32
    %c0_i32_0 = arith.constant 0 : i32
    %c0_i32_1 = arith.constant 0 : i32
    return %arg0, %c0_i32, %c0_i32_0 : i32, i32, i32
  }
}

</mosaic_0001>

<sc_bundles>
// kernel: sparse-core-data-format-call.cloned.1.call-start
scs
called_computation_lowered:
.L_overlay_start_0:
0x0: {  	s2 =	sld [smem:$0x3FD9]  }
0x1: {  	s3 =	sld [smem:$0x3FFE];
	_ =	sdelay $0x1  }
0x2: {  	s1 =	srdreg.scid  }
0x3: {  	s0 =	sand.u32 $0x1, s1  }
0x4: {  	s18 =	sshll.u32 s0, $0xA;
	s2 =	sadd.s32 s3, s2  }
0x5: {  	s2 =	sadd.s32 s2, s18  }
0x6: {  	[smem:$0x3FC2] =	sst s2  }
0x7: {  	_ = 	snop  }
0x8: {  	s2 =	sld [smem:$0x3FD0];
	(tm) =	ssettm $0x1  }
0x9: {  	s19 =	sld [smem:$0x3FFB];
	_ =	sdelay $0x3  }
0xa: {  	_ =	strace s19  }
0xb: {  	s3 =	sld [smem:$0x3FFC];
	_ =	sdelay $0x3  }
0xc: {  	_ =	strace s3  }
0xd: {  	s3 =	sld [smem:$0x3FFD];
	_ =	sdelay $0x3  }
0xe: {  	_ =	strace s3  }
0xf: {  	_ =	strace $0x8FFFFFFF  }
0x10: {  	s20 =	sld [smem:$0x3FDB];
	_ =	sdelay $0x1  }
0x11: {  	s4 =	simm.s32 $_scs_section_size  }
0x12: {  	s5 =	simm.s32 $_size__tile_overlayer_lowered;
	s6 =	simm.s32 $_tile_overlayer_lowered  }
0x13: {  	s23 =	simm.s32 $0x1BFF;
	s22 =	sshll.u32 s6, $0x1;
	s3 =	sadd.s32 s4, s20  }
0x14: {  	s7 =	simm.s32 $0x0;
	s21 =	sshll.u32 s5, $0x1;
	s5 =	sadd.s32 s22, s3  }
0x15: {  	[timem:s7], [sflag:s23] =	dma.local [hbm:s5], s21  }
0x16: {  	_ =	swait.ge [sflag:s23], s21  }
0x17: {  	s4 =	ssub.s32 $0x0, s21;
	[sflag:s23] =	ssyncset.done $0x0  }
0x18: {  	[sflag:s23] =	ssyncadd.s32 s4;
	_ =	sdelay $0x1  }
0x19: {  	s24 =	simm.s32 $0x1B8B  }
0x1a: {  	_ =	swait.ge [sflag:s24], $0x1  }
0x1b: {  	[sflag:s24] =	ssyncset.done $0x0  }
0x1c: {  	s26 =	simm.s32 $0x1B8E;
	s25 =	sld [smem:$0x3FFE];
	[sflag:s24] =	ssyncadd.s32 $0xFFFFFFFF  }
0x1d: {  	s27 =	simm.s32 $execute0_lowered;
	[smem:$0x3FD2] =	sst s26  }
0x1e: {  	s5 =	sshll.u32 s27, $0x1;
	_ =	strace $0x80000046;
	[dreg:$0x1] =	wrdreg $0xFFFFFFFF  }
0x1f: {  	s28 =	simm.s32 $_size_execute0_lowered;
	s3 =	sadd.s32 s3, s5;
	[dreg:$0x0] =	wrdreg $0x0  }
0x20: {  	s5 =	sshll.u32 s28, $0x1;
	[dreg:$0x2] =	wrdreg s3  }
0x21: {  	[dreg:$0x3] =	wrdreg s5  }
0x22: {  	[dreg:$0x4] =	wrdreg $0xC0  }
0x23: {  	_ =	task [dreg:s7], $0x5FFFF  }
0x24: {  	[dreg:$0x1] =	wrdreg $0xFFFFFFFF  }
0x25: {  	[dreg:$0x0] =	wrdreg $0x60  }
0x26: {  	[dreg:$0x2] =	wrdreg s25  }
0x27: {  	[dreg:$0x3] =	wrdreg s2  }
0x28: {  	[dreg:$0x4] =	wrdreg $0x9  }
0x29: {  	_ =	task.clear_ibuf [dreg:s7], $0x5FFFF;
	_ =	strace $0x90000046  }
0x2a: {  	s29 =	simm.s32 $0x9;
	_ =	strace $0x80000048  }
0x2b: {  	_ =	swait.ge [sflag:s29], $0x1  }
0x2c: {  	[sflag:s29] =	ssyncadd.s32 $0xFFFFFFFF  }
0x2d: {  	_ =	strace $0x90000048  }
0x2e: {  	_ =	sfence  }
0x2f: {  	s30 =	sld [smem:$0x0];
	_ =	sdelay $0x2  }
0x30: {  	s31 =	sshll.u32 s1, $0xD;
	s1 =	sshrl.u32 s1, $0x2  }
0x31: {  	s3 =	sand.u32 $0x4000, s31;
	s1 =	sadd.s32 s1, s30  }
0x32: {  	s0 =	sor.u32 s3, s0;
	s1 =	sshll.u32 s1, $0x11  }
0x33: {  	s0 =	sor.u32 s1, s0  }
0x34: {  	s0 =	sadd.s32 $0x8F2B, s0  }
0x35: {  	[sflag:s0] =	ssyncadd.remote.s32 $0x1  }
0x36: {  	_ =	sfence.sel $0xFFFF  }
0x37: {  	[dreg:$0x0] =	wrdreg $0xFFFFFFFF;
	(pc) =	sbr.abs _section_cstart, $3  }
0x38: {  	[dreg:$0x1] =	wrdreg $0xFFFFFFFF  }
0x39: {  	_ =	task.clear_ibuf [dreg:s7], $0x2FFFF;
	_ =	strace $0x9FFFFFFF  }
0x3a: {  	(tm) =	ssettm $0x7FFFFFFF  }
0x3b: {  	_ =	shalt  }
tec
execute0_lowered:
.L_overlay_start_1:
0x0: {  	(tag) =	ssettag $0x1  }
0x1: {  	s0 =	srdreg.scid;
	s31 =	rddreg [dreg:$0x0]  }
0x2: {  	s1 =	stileid.u32;
	s3 =	rddreg [dreg:$0x1];
	_ =	strace $0x80000047  }
0x3: {  	s4 =	simm.s32 $0x1;
	s6 =	simm.s32 $0x2;
	s0 =	sshll.u32 s0, $0x4  }
0x4: {  	s17 =	simm.s32 $0x0;
	s8 =	simm.s32 $0x7800;
	s0 =	sand.u32 $0x10, s0  }
0x5: {  	s9 =	simm.s32 $0x0;
	s19 =	simm.s32 $0x0;
	s0 =	sor.u32 s1, s0  }
0x6: {  	s18 =	simm.s32 $0x0;
	s10 =	simm.s32 $0x0;
	s2 =	sshll.u32 s0, $0x3  }
.Ltmp0:
0x7: {  	s11 =	simm.s32 $0x0;
	s0 =	ssub.s32 $0x240, s2;
	(pc) =	sbr.rel .LBB1_1-.Ltmp0, $4  }
0x8: {  	s12 =	simm.s32 $0x0;
	s13 =	simm.s32 $0x0;
	s0 =	sshrl.u32 s0, $0x8  }
0x9: {  	s15 =	simm.s32 $0x0;
	[sflag:s4] =	ssyncpa.u1 $0x0;
	s0 =	smul.u32 $0xF, s0  }
0xa: {  	s16 =	simm.s32 $0x0;
	s5 =	sadd.s32 $0x224600, s31;
	[sflag:s6] =	ssyncpa.u1 $0x0  }
0xb: {  	s14 =	smov.u32 s2;
	s6 =	sadd.s32 $0xF, s0;
	s7 =	sadd.s32 $0x10, s0  }
.LBB1_7:
0xc: {  	p0 =	slt.u32 s16, $0x2  }
0xd: {  	s0 =	smov.u32 s19;
	p1 =	sgt.s32 @!p0 s19, $0x239  }
0xe: {  	s1 =	sshra.s32 @!p0 s19, $0x1F;
	s20 =	sshra.s32 @!p0 s18, $0x1F;
	p1 =	por !p1, p0  }
0xf: {  	s1 =	sand.u32 @!p0 s1, s19;
	s0 =	simm.s32 @p1 $0x239;
	p1 =	sgt.s32 @!p0 s18, $0x20  }
0x10: {  	s19 =	smov.u32 s18;
	p1 =	por !p1, p0;
	s0 =	ssub.s32 @!p0 s0, s1  }
0x11: {  	s1 =	sand.u32 @!p0 s20, s18;
	s19 =	simm.s32 @p1 $0x20;
	s18 =	sadd.s32 @!p0 $0xFFFFFDC7, s0  }
0x12: {  	p1 =	sgt.s32 @!p0 s17, $0x200;
	s1 =	ssub.s32 @!p0 s19, s1;
	p2 =	sgt.s32 @!p0 s18, $0x7  }
0x13: {  	p1 =	por !p1, p0;
	s19 =	smov.u32 s17;
	s18 =	sadd.s32 @!p0 $0xFFFFFFE0, s1  }
0x14: {  	s19 =	simm.s32 @p1 $0x200;
	p1 =	sgt.s32 @!p0 s18, $0x7;
	s18 =	sshra.s32 @!p0 s17, $0x1F  }
0x15: {  	s21 =	smov.u32 s14;
	s20 =	sadd.s32 $0x100, s13;
	s17 =	sand.u32 @!p0 s18, s17  }
0x16: {  	s0 =	ssub.s32 @!p0 $0x241, s0;
	p2 =	por !p2, p0;
	s17 =	ssub.s32 @!p0 s19, s17  }
0x17: {  	s1 =	ssub.s32 @!p0 $0x28, s1;
	p1 =	por !p1, p0;
	s18 =	sadd.s32 @!p0 $0xFFFFFE00, s17  }
0x18: {  	s0 =	simm.s32 @!p2 $0x0;
	s1 =	simm.s32 @!p1 $0x0;
	p1 =	sgt.s32 @!p0 s18, $0xFF  }
0x19: {  	s0 =	smul.u32 @!p0 s1, s0;
	s1 =	ssub.s32 @!p0 $0x300, s17;
	p1 =	por !p1, p0  }
0x1a: {  	s17 =	sadd.s32 $0x100, s14;
	s1 =	simm.s32 @!p1 $0x0;
	p1 =	sgt.s32 s20, $0x2FF  }
0x1b: {  	s22 =	smov.u32 s15;
	s21 =	smov.u32 @p1 s17  }
0x1c: {  	s0 =	smul.u32 @!p0 s1, s0;
	s1 =	sadd.s32 $0x8, s15;
	p2 =	sgt.s32 s21, $0x240  }
0x1d: {  	s9 =	sadd.s32 $0x4000, s9;
	s19 =	smov.u32 s11;
	s22 =	smov.u32 @p2 s1  }
0x1e: {  	s11 =	smov.u32 s14;
	s20 =	simm.s32 @p1 $0x0;
	p1 =	sgt.s32 s22, $0x27  }
0x1f: {  	s18 =	smov.u32 s12;
	s22 =	simm.s32 @p1 $0x0;
	p1 =	sne.s32 s16, s7  }
.Ltmp1:
0x20: {  	s12 =	smov.u32 s15;
	s17 =	smov.u32 s10;
	(pc) =	sbr.rel @!p1 .LBB1_8-.Ltmp1, $4  }
0x21: {  	s10 =	smov.u32 s13;
	s0 =	sand.u32 @!p0 $0x3FFFFFFF, s0;
	s1 =	simm.s32 @!p0 $0x2  }
0x22: {  	s13 =	smov.u32 s20;
	s21 =	smov.u32 @p2 s2;
	_ =	swait.ge @!p0 [sflag:s1], s0  }
0x23: {  	s0 =	ssub.s32 @!p0 $0x0, s0;
	s14 =	smov.u32 s21;
	[sflag:s1] =	ssyncset.done @!p0 $0x0  }
0x24: {  	s16 =	sadd.s32 $0x1, s16;
	[sflag:s1] =	ssyncadd.s32 @!p0 s0;
	s15 =	smov.u32 s22  }
.LBB1_1:
0x25: {  	p0 =	sge.u32 s16, s6  }
0x26: {  	s0 =	sshrl.u32 @!p0 s14, $0x3  }
0x27: {  	s1 =	sshll.u32 @!p0 s13, $0x3;
	s0 =	smul.u32 @!p0 $0x1800, s0  }
0x28: {  	s20 =	sshll.u32 @!p0 s14, $0x7;
	s1 =	sand.u32 @!p0 $0xFFFFFC00, s1  }
0x29: {  	s0 =	sadd.s32 @!p0 s0, s1;
	s1 =	sand.u32 @!p0 $0x380, s20  }
0x2a: {  	s0 =	sor.u32 @!p0 s1, s0  }
0x2b: {  	s1 =	smulhi.u32 @!p0 $0xAAAAAAAB, s0;
	_ =	sdelay $0x1  }
0x2c: {  	s20 =	sand.u32 @!p0 $0x7F, s13;
	s1 =	sshrl.u32 @!p0 s1, $0x9  }
0x2d: {  	s0 =	sor.u32 @!p0 s20, s0;
	s20 =	smulhi.u32 @!p0 $0xE07039, s1  }
0x2e: {  	s21 =	smulhi.u32 @!p0 $0xAAAAAAAB, s0  }
0x2f: {  	s20 =	sshrl.u32 @!p0 s20, $0x1  }
0x30: {  	s21 =	sshrl.u32 @!p0 s21, $0x9;
	s20 =	smul.u32 @!p0 $0x248, s20  }
0x31: {  	s21 =	smul.u32 @!p0 $0x300, s21  }
0x32: {  	s22 =	sxor.u32 @!p0 $0xFFFFFFFF, s16;
	s1 =	ssub.s32 @!p0 s1, s20;
	s20 =	smul.u32 @!p0 $0xDB00, s15  }
0x33: {  	s22 =	sshll.u32 @!p0 s22, $0xE;
	s0 =	ssub.s32 @!p0 s0, s21;
	s1 =	smul.u32 @!p0 $0x60, s1  }
0x34: {  	s21 =	sand.u32 @!p0 $0x4000, s22;
	s22 =	sand.u32 @!p0 $0x7, s0;
	s20 =	sadd.s32 @!p0 s5, s20  }
0x35: {  	s0 =	sshrl.u32 @!p0 s0, $0x3;
	s1 =	sadd.s32 @!p0 s1, s20;
	s20 =	sshll.u32 @!p0 s22, $0x12  }
0x36: {  	s0 =	sadd.s32 @!p0 s0, s1;
	s1 =	sor.u32 @!p0 $0x800, s20;
	s20 =	simm.s32 @!p0 $0x6D800  }
0x37: {  	[tilespmem:s21], [sflag:$0x1] =	stream.strided.gather @!p0 [hbm4b:s0+s1], $0x4000, s20, s1, $0x38;
	[tilespmem:$0x10000] =	vst v63  }
0x38: {  	p0 =	seq.s32 s16, $0x0  }
0x39: {  	p1 =	sge.u32 @!p0 s16, s7  }
0x3a: {  	p0 =	por p0, p1  }
.Ltmp2:
0x3b: {  	_ = 	snop;
	(pc) =	sbr.rel @p0 .LBB1_7-.Ltmp2, $1  }
0x3c: {  	_ =	sdelay $0x3  }
0x3d: {  	s0 =	sshll.u32 s9, $0x2  }
0x3e: {  	_ =	swait.ge [sflag:s4], $0x4000;
	s1 =	sshll.u32 s16, $0xE;
	s25 =	simm.s32 $0x0  }
0x3f: {  	p0 =	por $0x0, $0x0;
	s26 =	simm.s32 $0x0;
	s27 =	simm.s32 $0x0  }
0x40: {  	s0 =	sand.u32 $0x10000, s0;
	[sflag:s4] =	ssyncset.done $0x0;
	s23 =	sand.u32 $0x4000, s1  }
0x41: {  	s0 =	sshrl.u32 s0, $0x2;
	[sflag:s4] =	ssyncadd.s32 $0xFFFFC000;
	s20 =	sor.u32 $0x8000, s23  }
0x42: {  	s21 =	sor.u32 $0x40, s0;
	s22 =	sor.u32 $0x8410, s0;
	s24 =	sadd.s32 $0x8400, s0  }
.LBB1_3:
0x43: {  	v1 =	vld [tilespmem:s21+$0xFFFFFFD0]  }
0x44: {  	v2 =	vld [tilespmem:s21+$0x430]  }
0x45: {  	s0 =	sshll.u32 s27, $0xB;
	v4 =	vld [tilespmem:s21+$0xFFFFFFE0]  }
0x46: {  	v7 =	vld [tilespmem:s21+$0xFFFFFFF0];
	v0 =	vmov s0  }
0x47: {  	v8 =	vld [tilespmem:s21+$0x0]  }
0x48: {  	v9 =	vld [tilespmem:s21+$0x10];
	s0 =	sand.u32 $0x300, s25  }
0x49: {  	s1 =	sand.u32 $0x80, s25;
	v10 =	vld [tilespmem:s21+$0x20];
	s0 =	sadd.s32 s0, s23  }
0x4a: {  	v11 =	vld [tilespmem:s21+$0x30];
	s0 =	sadd.s32 s1, s0;
	s1 =	simm.s32 $0x1;
	[tilespmem:s22+$0x60] =	vst v2  }
0x4b: {  	s1 =	simm.s32 @!p0 $0x0;
	[tilespmem:s22+$0xFFFFFC00] =	vst v1;
	v3 =	vld.idx.msk [tilespmem:v0+s0+$0x400 ss:$0x1], $0xffff;
	s0 =	sshll.u32 s26, $0x2  }
0x4c: {  	v6 =	vld [tilespmem:s21+$0x3D0];
	s1 =	sshll.u32 s1, $0x9;
	[tilespmem:s22+$0xFFFFFC10] =	vst v4;
	s0 =	sand.u32 $0xFFFFFC00, s0  }
0x4d: {  	v5 =	vld [tilespmem:s21+$0x3E0];
	[tilespmem:s22+$0xFFFFFC20] =	vst v7;
	s0 =	sor.u32 s1, s0  }
0x4e: {  	[tilespmem:s22+$0xFFFFFC30] =	vst v8;
	v4 =	vld [tilespmem:s21+$0x400];
	s0 =	sshrl.u32 s0, $0x2  }
0x4f: {  	[tilespmem:s22+$0xFFFFFC40] =	vst v9;
	v1 =	vld [tilespmem:s21+$0x410];
	s28 =	sadd.s32 s0, s24  }
0x50: {  	[tilespmem:s28+$0x0] =	vst v3;
	v3 =	vld [tilespmem:s21+$0x3F0]  }
0x51: {  	s31 =	simm.s32 $0x100;
	[tilespmem:s22+$0xFFFFFC50] =	vst v10;
	v2 =	vld [tilespmem:s21+$0x420];
	s1 =	simm.s32 $0x80  }
0x52: {  	s29 =	sadd.s32 $0x80, s21;
	s30 =	smov.u32 s22;
	v7 =	vld [tilespmem:s21+$0xFFFFFFC0];
	[tilespmem:s22+$0xFFFFFC60] =	vst v11;
	s0 =	sand.u32 $0x300, s1  }
.LBB1_4:
0x53: {  	p1 =	sne.s32 s31, $0x380;
	v8 =	vld [tilespmem:s29+$0xFFFFFFD0];
	s1 =	sand.u32 $0x80, s1;
	s0 =	sadd.s32 s0, s23;
	[tilespmem:s30+$0x0] =	vst v6  }
0x54: {  	s0 =	sadd.s32 s1, s0;
	v6 =	vld [tilespmem:s29+$0x430];
	[tilespmem:s30+$0x10] =	vst v5;
	s1 =	smov.u32 s31  }
0x55: {  	v5 =	vld.idx.msk [tilespmem:v0+s0+$0x400 ss:$0x1], $0xffff;
	[tilespmem:s30+$0x20] =	vst v3  }
0x56: {  	v3 =	vld [tilespmem:s29+$0xFFFFFFE0];
	[tilespmem:s30+$0x30] =	vst v4  }
0x57: {  	v4 =	vld [tilespmem:s29+$0xFFFFFFF0];
	[tilespmem:s30+$0xFFFFFBF0] =	vst v7  }
0x58: {  	v7 =	vld [tilespmem:s29+$0x0];
	[tilespmem:s30+$0x40] =	vst v1  }
0x59: {  	v1 =	vld [tilespmem:s29+$0x10];
	[tilespmem:s30+$0x50] =	vst v2;
	s30 =	sadd.s32 $0x800, s30  }
0x5a: {  	s28 =	sadd.s32 $0x800, s28;
	v2 =	vld [tilespmem:s29+$0x20];
	[tilespmem:s30+$0x60] =	vst v6  }
0x5b: {  	v9 =	vld [tilespmem:s29+$0x30];
	[tilespmem:s28+$0x0] =	vst v5  }
0x5c: {  	[tilespmem:s30+$0xFFFFFC00] =	vst v8;
	v6 =	vld [tilespmem:s29+$0x3D0]  }
0x5d: {  	[tilespmem:s30+$0xFFFFFC10] =	vst v3;
	v5 =	vld [tilespmem:s29+$0x3E0]  }
.Ltmp3:
0x5e: {  	[tilespmem:s30+$0xFFFFFC20] =	vst v4;
	v3 =	vld [tilespmem:s29+$0x3F0];
	(pc) =	sbr.rel @p1 .LBB1_4-.Ltmp3, $4  }
0x5f: {  	[tilespmem:s30+$0xFFFFFC30] =	vst v7;
	v4 =	vld [tilespmem:s29+$0x400]  }
0x60: {  	[tilespmem:s30+$0xFFFFFC40] =	vst v1;
	v1 =	vld [tilespmem:s29+$0x410]  }
0x61: {  	[tilespmem:s30+$0xFFFFFC50] =	vst v2;
	v2 =	vld [tilespmem:s29+$0x420]  }
0x62: {  	s31 =	sadd.s32 $0x80, s31;
	s0 =	sand.u32 $0x300, s1;
	v7 =	vld [tilespmem:s29+$0xFFFFFFC0];
	[tilespmem:s30+$0xFFFFFC60] =	vst v9;
	s29 =	sadd.s32 $0x80, s29  }
0x63: {  	[tilespmem:s30+$0x0] =	vst v6  }
0x64: {  	[tilespmem:s30+$0x10] =	vst v5  }
0x65: {  	v49 =	vld [tilespmem:s29+$0x430];
	[tilespmem:s30+$0x20] =	vst v3  }
0x66: {  	v50 =	vld [tilespmem:s29+$0xFFFFFFD0];
	[tilespmem:s30+$0x30] =	vst v4  }
0x67: {  	v51 =	vld [tilespmem:s29+$0xFFFFFFE0];
	[tilespmem:s30+$0x40] =	vst v1  }
0x68: {  	v52 =	vld [tilespmem:s29+$0xFFFFFFF0];
	[tilespmem:s30+$0x50] =	vst v2  }
0x69: {  	v53 =	vld [tilespmem:s29+$0x0];
	[tilespmem:s30+$0xFFFFFBF0] =	vst v7;
	s30 =	sadd.s32 $0x800, s30  }
0x6a: {  	v54 =	vld [tilespmem:s29+$0x10];
	[tilespmem:s30+$0x60] =	vst v49  }
0x6b: {  	v55 =	vld [tilespmem:s29+$0x20];
	[tilespmem:s30+$0xFFFFFC00] =	vst v50  }
0x6c: {  	v56 =	vld [tilespmem:s29+$0x30];
	[tilespmem:s30+$0xFFFFFC10] =	vst v51  }
0x6d: {  	v57 =	vld [tilespmem:s29+$0x3D0];
	[tilespmem:s30+$0xFFFFFC20] =	vst v52  }
0x6e: {  	v58 =	vld [tilespmem:s29+$0x3E0];
	[tilespmem:s30+$0xFFFFFC30] =	vst v53  }
0x6f: {  	v59 =	vld [tilespmem:s29+$0x3F0];
	[tilespmem:s30+$0xFFFFFC40] =	vst v54  }
0x70: {  	v60 =	vld [tilespmem:s29+$0x400];
	[tilespmem:s30+$0xFFFFFC50] =	vst v55  }
0x71: {  	v61 =	vld [tilespmem:s29+$0xFFFFFFC0];
	[tilespmem:s30+$0xFFFFFC60] =	vst v56  }
0x72: {  	s1 =	sand.u32 $0x80, s1;
	s0 =	sadd.s32 s0, s23;
	v62 =	vld [tilespmem:s29+$0x410];
	[tilespmem:s30+$0x0] =	vst v57  }
0x73: {  	v63 =	vld [tilespmem:s29+$0x420];
	s27 =	sadd.s32 $0x1, s27;
	s0 =	sadd.s32 s1, s0;
	[tilespmem:s30+$0x10] =	vst v58  }
0x74: {  	p1 =	sne.s32 s27, $0x8;
	v0 =	vld.idx.msk [tilespmem:v0+s0+$0x400 ss:$0x1], $0xffff;
	[tilespmem:s30+$0x20] =	vst v59  }
.Ltmp4:
0x75: {  	[tilespmem:s30+$0x30] =	vst v60;
	(pc) =	sbr.rel @p1 .LBB1_3-.Ltmp4, $4  }
0x76: {  	[tilespmem:s30+$0xFFFFFBF0] =	vst v61  }
0x77: {  	[tilespmem:s30+$0x40] =	vst v62  }
0x78: {  	s31 =	sadd.s32 $0x800, s28;
	s21 =	sadd.s32 $0x800, s21;
	[tilespmem:s30+$0x50] =	vst v63  }
0x79: {  	s26 =	sadd.s32 $0x80, s26;
	p0 =	por !p0, !p0;
	s22 =	sadd.s32 $0x80, s22;
	[tilespmem:s31+$0x0] =	vst v0  }
0x7a: {  	s0 =	sshrl.u32 s12, $0x3  }
0x7b: {  	s1 =	sshll.u32 s10, $0x3;
	s21 =	sshll.u32 s12, $0x7;
	s30 =	sand.u32 $0x7F, s10  }
0x7c: {  	p0 =	sgt.s32 s11, $0x239;
	s22 =	smov.u32 s11;
	s23 =	sshra.s32 s11, $0x1F  }
0x7d: {  	s25 =	sshra.s32 s12, $0x1F;
	s31 =	sshra.s32 s10, $0x1F;
	s0 =	smul.u32 $0x1800, s0  }
0x7e: {  	s1 =	sand.u32 $0xFFFFFC00, s1;
	s29 =	sand.u32 $0x380, s21;
	s22 =	simm.s32 @!p0 $0x239  }
0x7f: {  	s23 =	sand.u32 s23, s11;
	p0 =	sgt.s32 s12, $0x20;
	s25 =	sand.u32 s25, s12  }
0x80: {  	s22 =	ssub.s32 s22, s23;
	s23 =	smov.u32 s12;
	s0 =	sadd.s32 s0, s1  }
0x81: {  	s26 =	sadd.s32 $0xFFFFFDC7, s22;
	s23 =	simm.s32 @!p0 $0x20;
	s22 =	ssub.s32 $0x241, s22  }
0x82: {  	s0 =	sor.u32 s29, s0;
	p0 =	sgt.s32 s26, $0x7;
	s23 =	ssub.s32 s23, s25  }
0x83: {  	s26 =	smov.u32 s10;
	s1 =	sor.u32 s30, s0;
	s0 =	smulhi.u32 $0xAAAAAAAB, s0  }
0x84: {  	s22 =	simm.s32 @p0 $0x0;
	s25 =	sadd.s32 $0xFFFFFFE0, s23;
	p0 =	sgt.s32 s10, $0x200  }
0x85: {  	s21 =	smulhi.u32 $0xAAAAAAAB, s1;
	s26 =	simm.s32 @!p0 $0x200;
	s0 =	sshrl.u32 s0, $0x9  }
0x86: {  	p0 =	sgt.s32 s25, $0x7;
	s25 =	sand.u32 s31, s10;
	s24 =	smulhi.u32 $0x6666667, s0  }
0x87: {  	s23 =	ssub.s32 $0x28, s23;
	s25 =	ssub.s32 s26, s25;
	s26 =	smul.u32 $0xF00, s11  }
0x88: {  	s23 =	simm.s32 @p0 $0x0;
	s24 =	smul.u32 $0x28, s24  }
0x89: {  	s21 =	sshrl.u32 s21, $0x9;
	s22 =	smul.u32 s23, s22  }
0x8a: {  	s21 =	smul.u32 $0x300, s21;
	s0 =	ssub.s32 s0, s24;
	s24 =	sadd.s32 $0xFFFFFE00, s25  }
0x8b: {  	s23 =	ssub.s32 $0x300, s25;
	p0 =	sgt.s32 s24, $0xFF;
	s0 =	smul.u32 $0x60, s0  }
.Ltmp5:
0x8c: {  	s1 =	ssub.s32 s1, s21;
	s23 =	simm.s32 @p0 $0x0;
	(pc) =	sbr.rel .LBB1_7-.Ltmp5, $4  }
0x8d: {  	s28 =	sadd.s32 s3, s26;
	s29 =	sand.u32 $0x7, s1;
	s27 =	smul.u32 s23, s22  }
0x8e: {  	s1 =	sshrl.u32 s1, $0x3;
	s30 =	sshll.u32 s29, $0x12;
	s0 =	sadd.s32 s0, s28  }
0x8f: {  	s31 =	sor.u32 $0x800, s30;
	s0 =	sadd.s32 s1, s0;
	s21 =	sand.u32 $0x3FFFFFFF, s27  }
0x90: {  	[hbm4b:s0+s31] =	stream.strided.scatter [tilespmem:s20], [sflag:$0x2], s21, s8, s31, $0x38;
	[tilespmem:$0x10000] =	vst v63  }
.LBB1_8:
0x91: {  	_ =	sfence.sel $0x180000  }
0x92: {  	s0 =	simm.s32 $0x1;
	[bflag:$0x0] =	sbarrier.arrive $0xFFFF  }
0x93: {  	s30 =	simm.s32 $0x2;
	[sflag:s0] =	ssyncpa.u1 $0x1  }
0x94: {  	[sflag:s30] =	ssyncpa.u1 $0x1  }
0x95: {  	_ =	strace $0x90000047  }
0x96: {  	s31 =	stileid.u32;
	[bflag:$0x2] =	sbarrier.arrive $0xFFFF  }
0x97: {  	p0 =	sne.s32 s31, $0x0;
	s0 =	rddreg [dreg:$0x2]  }
0x98: {  	s0 =	sadd.s32 @!p0 $0x100000, s0  }
0x99: {  	[sflag:s0] =	ssyncadd.tile.s32 @!p0 $0x1;
	_ =	shalt  }
.Lfunc_end1:
_tile_overlayer_lowered:
.L_overlay_start_2:
0x9a: {  	(tag) =	ssettag $0x2  }
0x9b: {  	s0 =	rddreg [dreg:$0x0];
	s2 =	stileid.u32  }
0x9c: {  	s1 =	rddreg [dreg:$0x1];
	p0 =	sne.s32 s2, $0x0  }
0x9d: {  	s3 =	rddreg [dreg:$0x2];
	[bflag:$0x3] =	sbarrier.arrive $0xFFFF;
	s2 =	simm.s32 @!p0 $0x1C01  }
0x9e: {  	[timem:s3], [sflag:s2] =	dma.local @!p0 [hbm:s0], s1  }
0x9f: {  	s0 =	simm.s32 @!p0 $0x1  }
0xa0: {  	_ =	swait.ge @!p0 [sflag:s0], s1  }
0xa1: {  	s1 =	ssub.s32 @!p0 $0x0, s1;
	[sflag:s0] =	ssyncset.done @!p0 $0x0  }
0xa2: {  	[sflag:s0] =	ssyncadd.s32 @!p0 s1  }
0xa3: {  	[bflag:$0x3] =	sbarrier.arrive $0xFFFF  }
0xa4: {  	_ =	shalt  }

</sc_bundles>
